<compile_context>
chip_gen: v7x
topology: tpu7x:2x2x1
jax: 0.10.2.dev20260603
libtpu: 0.0.44.dev20260713+nightly
codegen_flags: <defaults>
</compile_context>

<pallas_src>
import jax
import jax.numpy as jnp
import numpy as np
from jax.experimental import pallas as pl
from jax.experimental.pallas import tpu as pltpu

IOU_THR = 0.45
K_NMS = 1000
KP = 1024
NROW = 16
NPAD = 16896
ROWS = 132
OUTB = 2080
NB = 4


def _select_kernel(s_ref, p_ref):
    u = jax.lax.bitcast_convert_type(s_ref[...], jnp.int32)

    def count_ge(t):
        c = jnp.where(u >= t, 1.0, 0.0)
        return jnp.sum(jnp.sum(c, axis=2), axis=1).reshape(NB, 1, 1)

    def body(_, carry):
        lo, hi = carry
        mid = lo + ((hi - lo) >> 1)
        c = count_ge(mid)
        big = c >= float(K_NMS)
        return (jnp.where(big, mid, lo), jnp.where(big, hi, mid))

    lo0 = jnp.zeros((NB, 1, 1), jnp.int32)
    hi0 = jnp.full((NB, 1, 1), 0x3F800001, jnp.int32)
    v, _ = jax.lax.fori_loop(0, 31, body, (lo0, hi0))

    cnt_gt = jnp.sum(jnp.sum(jnp.where(u > v, 1.0, 0.0), axis=2), axis=1)
    m = float(K_NMS) - cnt_gt.reshape(NB, 1, 1)

    l_iota = jax.lax.broadcasted_iota(jnp.int32, (128, 128), 0)
    l_iota_t = jax.lax.broadcasted_iota(jnp.int32, (128, 128), 1)
    su128 = jnp.where(l_iota < l_iota_t, 1.0, 0.0)
    r_iota = jax.lax.broadcasted_iota(jnp.int32, (ROWS, ROWS), 0)
    r_iota_t = jax.lax.broadcasted_iota(jnp.int32, (ROWS, ROWS), 1)
    sl132 = jnp.where(r_iota_t < r_iota, 1.0, 0.0)
    ones_col = jnp.ones((128, 1), jnp.float32)

    def excl_prefix(mask):
        in_row = jnp.dot(mask, su128, preferred_element_type=jnp.float32)
        row_tot = jnp.dot(mask, ones_col, preferred_element_type=jnp.float32)
        prev_rows = jnp.dot(sl132, row_tot, preferred_element_type=jnp.float32)
        return in_row + prev_rows

    ridx = jax.lax.broadcasted_iota(jnp.int32, (ROWS, 128), 0)
    lidx = jax.lax.broadcasted_iota(jnp.int32, (ROWS, 128), 1)
    flat_i = ridx * 128 + lidx
    dump = K_NMS + (flat_i >> 4)

    for b in range(NB):
        ub = u[b]
        vb = v[b]
        eq = jnp.where(ub == vb, 1.0, 0.0)
        gtm = jnp.where(ub > vb, 1.0, 0.0)
        tie_pos = excl_prefix(eq)
        member = gtm + eq * jnp.where(tie_pos < m[b], 1.0, 0.0)
        pos = excl_prefix(member)
        p_local = jnp.where(member > 0.5, pos.astype(jnp.int32), dump)
        p_ref[b] = b * OUTB + p_local


def _select_pallas(scores3):
    return pl.pallas_call(
        _select_kernel,
        out_shape=jax.ShapeDtypeStruct((NB, ROWS, 128), jnp.int32),
    )(scores3)


def _nms_direct_kernel(vals_ref, box_ref, kps_ref, out_ref):
    KN = K_NMS
    v = vals_ref[0]
    bx = box_ref[0]
    kp = kps_ref[0]
    bt = jnp.transpose(bx, (1, 0))
    x1c, y1c, x2c, y2c = bx[:, 0:1], bx[:, 1:2], bx[:, 2:3], bx[:, 3:4]
    x1r, y1r, x2r, y2r = bt[0:1], bt[1:2], bt[2:3], bt[3:4]
    area_r = jnp.maximum(x2r - x1r, 0.0) * jnp.maximum(y2r - y1r, 0.0)
    area_c = jnp.maximum(x2c - x1c, 0.0) * jnp.maximum(y2c - y1c, 0.0)
    xx1 = jnp.maximum(x1c, x1r)
    yy1 = jnp.maximum(y1c, y1r)
    xx2 = jnp.minimum(x2c, x2r)
    yy2 = jnp.minimum(y2c, y2r)
    inter = jnp.maximum(xx2 - xx1, 0.0) * jnp.maximum(yy2 - yy1, 0.0)
    iou = inter / (area_c + area_r - inter + 1e-9)
    jidx = jax.lax.broadcasted_iota(jnp.int32, (KN, KN), 0)
    iidx = jax.lax.broadcasted_iota(jnp.int32, (KN, KN), 1)
    supmat = jnp.where((iou > IOU_THR) & (jidx < iidx), 1.0, 0.0)

    def cond(c):
        return c[1]

    def body(c):
        keep, _ = c
        sup = jnp.dot(keep, supmat, preferred_element_type=jnp.float32)
        nk = jnp.where(sup > 0.5, 0.0, 1.0)
        return nk, jnp.any(nk != keep)

    keep, _ = jax.lax.while_loop(
        cond, body, (jnp.ones((1, KN), jnp.float32), jnp.bool_(True)))
    planar = jnp.concatenate([v, bt, jnp.transpose(kp, (1, 0))], axis=0)
    out_ref[0] = planar * keep


def _nms_direct_pallas(vals, boxes_k, kps_k):
    return pl.pallas_call(
        _nms_direct_kernel,
        grid=(NB,),
        in_specs=[
            pl.BlockSpec((1, 1, K_NMS), lambda i: (i, 0, 0)),
            pl.BlockSpec((1, K_NMS, 4), lambda i: (i, 0, 0)),
            pl.BlockSpec((1, K_NMS, 10), lambda i: (i, 0, 0)),
        ],
        out_specs=pl.BlockSpec((1, 15, K_NMS), lambda i: (i, 0, 0)),
        out_shape=jax.ShapeDtypeStruct((NB, 15, K_NMS), jnp.float32),
    )(vals.reshape(NB, 1, K_NMS), boxes_k, kps_k)


def _sort_nms_kernel(fc_ref, out_ref):
    fc = fc_ref[0]
    iota_s = jax.lax.broadcasted_iota(jnp.int32, (KP, KP), 0)
    iota_l = jax.lax.broadcasted_iota(jnp.int32, (KP, KP), 1)
    planar = jnp.transpose(fc, (1, 0))

    vcol = iota_s[:, :1] < K_NMS
    vrow = iota_l[:1, :] < K_NMS
    s_col = jnp.where(vcol, fc[:, 0:1], -1.0)
    s_row = jnp.where(vrow, planar[0:1, :], -1.0)
    ix_col = jnp.where(vcol, fc[:, 15:16], 1e9)
    ix_row = jnp.where(vrow, planar[15:16, :], 1e9)

    gt = (s_col > s_row) | ((s_col == s_row) & (ix_col < ix_row))
    lt = (s_row > s_col) | ((s_row == s_col) & (ix_row < ix_col))
    rank_col = jnp.sum(jnp.where(lt, 1.0, 0.0), axis=1, keepdims=True)

    q = jnp.where(rank_col == iota_l.astype(jnp.float32), 1.0, 0.0)
    sorted_cols = jax.lax.dot_general(q, fc, (((0,), (0,)), ((), ())),
                                      preferred_element_type=jnp.float32,
                                      precision=jax.lax.Precision.HIGHEST)
    sorted_planar = jnp.transpose(sorted_cols, (1, 0))

    mrow = jnp.where(vrow, 1.0, 0.0)
    mcol = jnp.where(vcol, 1.0, 0.0)
    x1r, y1r = sorted_planar[1:2] * mrow, sorted_planar[2:3] * mrow
    x2r, y2r = sorted_planar[3:4] * mrow, sorted_planar[4:5] * mrow
    x1c, y1c = sorted_cols[:, 1:2] * mcol, sorted_cols[:, 2:3] * mcol
    x2c, y2c = sorted_cols[:, 3:4] * mcol, sorted_cols[:, 4:5] * mcol
    area_r = jnp.maximum(x2r - x1r, 0.0) * jnp.maximum(y2r - y1r, 0.0)
    area_c = jnp.maximum(x2c - x1c, 0.0) * jnp.maximum(y2c - y1c, 0.0)
    xx1 = jnp.maximum(x1c, x1r)
    yy1 = jnp.maximum(y1c, y1r)
    xx2 = jnp.minimum(x2c, x2r)
    yy2 = jnp.minimum(y2c, y2r)
    inter = jnp.maximum(xx2 - xx1, 0.0) * jnp.maximum(yy2 - yy1, 0.0)
    iou = inter / (area_c + area_r - inter + 1e-9)
    supmat = jnp.where((iou > IOU_THR) & (iota_s < iota_l), 1.0, 0.0)

    def cond(c):
        _, changed = c
        return changed

    def body(c):
        keep, _ = c
        sup = jnp.dot(keep, supmat, preferred_element_type=jnp.float32)
        newkeep = jnp.where(sup > 0.5, 0.0, 1.0)
        return newkeep, jnp.any(newkeep != keep)

    keep0 = jnp.ones((1, KP), jnp.float32)
    keep, _ = jax.lax.while_loop(cond, body, (keep0, jnp.bool_(True)))
    out_ref[0] = sorted_planar * keep


def _sort_nms_pallas(fc):
    return pl.pallas_call(
        _sort_nms_kernel,
        grid=(NB,),
        in_specs=[pl.BlockSpec((1, KP, NROW), lambda i: (i, 0, 0))],
        out_specs=pl.BlockSpec((1, NROW, KP), lambda i: (i, 0, 0)),
        out_shape=jax.ShapeDtypeStruct((NB, NROW, KP), jnp.float32),
    )(fc)


def _scatter_standin(fields_flat, p_flat):
    out = jnp.zeros((NB * OUTB, NROW), jnp.float32)
    return out.at[p_flat].set(fields_flat, mode='drop')


def _conv(x, w, stride=1):
    return jax.lax.conv_general_dilated(
        x, w, (stride, stride), 'SAME',
        dimension_numbers=('NCHW', 'OIHW', 'NCHW'))


def _up2(x):
    return jnp.repeat(jnp.repeat(x, 2, axis=2), 2, axis=3)


def _anchor_centers(h, w, stride, na):
    sy, sx = jnp.meshgrid(jnp.arange(h), jnp.arange(w), indexing='ij')
    ac = (jnp.stack([sx, sy], -1).astype(jnp.float32) * stride).reshape(-1, 2)
    return jnp.repeat(ac[:, None, :], na, axis=1).reshape(-1, 2)


def kernel(x, stem1_w, stem2_w, c3_w, c4_w, c5_w, lat3_w, lat4_w, lat5_w,
           smooth3_w, smooth4_w, smooth5_w, head_w, cls_w, box_w, kps_w):
    relu = jax.nn.relu
    h = relu(_conv(x, stem1_w, 2))
    h = relu(_conv(h, stem2_w, 2))
    c3 = relu(_conv(h, c3_w, 2))
    c4 = relu(_conv(c3, c4_w, 2))
    c5 = relu(_conv(c4, c5_w, 2))
    p5 = _conv(c5, lat5_w)
    p4 = _conv(c4, lat4_w) + _up2(p5)
    p3 = _conv(c3, lat3_w) + _up2(p4)
    p3 = relu(_conv(p3, smooth3_w))
    p4 = relu(_conv(p4, smooth4_w))
    p5 = relu(_conv(p5, smooth5_w))
    na, nc = 2, 1
    sc_l, bx_l, kp_l = [], [], []
    for f, s in zip((p3, p4, p5), (8, 16, 32)):
        t = relu(_conv(f, head_w))
        cls = _conv(t, cls_w)
        box = _conv(t, box_w)
        kp = _conv(t, kps_w)
        b, _, hh, ww = cls.shape
        ac = _anchor_centers(hh, ww, s, na)
        sm = jax.nn.sigmoid(cls.reshape(b, na, nc, hh, ww)
                            .transpose(0, 3, 4, 1, 2).reshape(b, -1, nc))
        sc = jnp.max(sm, axis=-1)
        bb = box.reshape(b, na, 4, hh, ww).transpose(0, 3, 4, 1, 2).reshape(b, -1, 4) * s
        x1 = ac[None, :, 0] - bb[..., 0]
        y1 = ac[None, :, 1] - bb[..., 1]
        x2 = ac[None, :, 0] + bb[..., 2]
        y2 = ac[None, :, 1] + bb[..., 3]
        bxs = jnp.stack([x1, y1, x2, y2], -1)
        kk = kp.reshape(b, na, 10, hh, ww).transpose(0, 3, 4, 1, 2).reshape(b, -1, 10) * s
        kx = ac[None, :, 0:1] + kk[..., 0::2]
        ky = ac[None, :, 1:2] + kk[..., 1::2]
        kps_dec = jnp.stack([kx, ky], -1).reshape(b, -1, 10)
        sc_l.append(sc)
        bx_l.append(bxs)
        kp_l.append(kps_dec)
    scores = jnp.concatenate(sc_l, 1)
    boxes = jnp.concatenate(bx_l, 1)
    kpss = jnp.concatenate(kp_l, 1)

    vals, idx = jax.lax.top_k(scores, K_NMS)
    boxes_k = jnp.take_along_axis(boxes, idx[..., None], axis=1)
    kps_k = jnp.take_along_axis(kpss, idx[..., None], axis=1)

    res = _nms_direct_pallas(vals, boxes_k, kps_k)
    return res.transpose(0, 2, 1)

# --- scband reference (transcript-rebuilt; emitter-appended) ---
"""Pipeline reference for scband-scrfd-54726473285760 (READ-ONLY COPY).

The authoritative reference and input builder live on the scoring server;
editing this copy changes nothing except your own understanding.
"""

import jax, jax.numpy as jnp
import numpy as np


def conv(x, w, stride=1):
    return jax.lax.conv_general_dilated(x, w, (stride, stride), 'SAME', dimension_numbers=('NCHW', 'OIHW', 'NCHW'))


def up2(x):
    return jnp.repeat(jnp.repeat(x, 2, axis=2), 2, axis=3)


def anchor_centers(h, w, stride, na):
    sy, sx = jnp.meshgrid(jnp.arange(h), jnp.arange(w), indexing='ij')
    ac = (jnp.stack([sx, sy], -1).astype(jnp.float32) * stride).reshape(-1, 2)
    return jnp.repeat(ac[:, None, :], na, axis=1).reshape(-1, 2)


def nms_keep(boxes, iou_thr):
    x1, y1, x2, y2 = boxes[:, 0], boxes[:, 1], boxes[:, 2], boxes[:, 3]
    area = jnp.maximum(x2 - x1, 0.0) * jnp.maximum(y2 - y1, 0.0)
    xx1 = jnp.maximum(x1[:, None], x1[None, :])
    yy1 = jnp.maximum(y1[:, None], y1[None, :])
    xx2 = jnp.minimum(x2[:, None], x2[None, :])
    yy2 = jnp.minimum(y2[:, None], y2[None, :])
    inter = jnp.maximum(xx2 - xx1, 0.0) * jnp.maximum(yy2 - yy1, 0.0)
    iou = inter / (area[:, None] + area[None, :] - inter + 1e-9)
    K = boxes.shape[0]
    ar = jnp.arange(K)
    def body(i, keep):
        sup = (iou[i] > iou_thr) & (ar > i) & keep[i]
        return keep & (~sup)
    return jax.lax.fori_loop(0, K, body, jnp.ones((K,), dtype=bool))


def setup_inputs(seed: int = 0) -> dict:
    key = jax.random.key(seed)
    ks = jax.random.split(key, 16)
    def p(k, shape, fan_in):
        return jax.random.normal(k, shape, jnp.float32) * np.float32(1.0 / np.sqrt(fan_in))
    return {
        'x': jax.random.normal(ks[0], (4, 3, 640, 640), jnp.float32),
        'stem1_w': p(ks[1], (32, 3, 3, 3), 27),
        'stem2_w': p(ks[2], (64, 32, 3, 3), 288),
        'c3_w': p(ks[3], (64, 64, 3, 3), 576),
        'c4_w': p(ks[4], (128, 64, 3, 3), 576),
        'c5_w': p(ks[5], (256, 128, 3, 3), 1152),
        'lat3_w': p(ks[6], (64, 64, 1, 1), 64),
        'lat4_w': p(ks[7], (64, 128, 1, 1), 128),
        'lat5_w': p(ks[8], (64, 256, 1, 1), 256),
        'smooth3_w': p(ks[9], (64, 64, 3, 3), 576),
        'smooth4_w': p(ks[10], (64, 64, 3, 3), 576),
        'smooth5_w': p(ks[11], (64, 64, 3, 3), 576),
        'head_w': p(ks[12], (64, 64, 3, 3), 576),
        'cls_w': p(ks[13], (2, 64, 1, 1), 64),
        'box_w': p(ks[14], (8, 64, 1, 1), 64),
        'kps_w': p(ks[15], (20, 64, 1, 1), 64),
    }


def reference(x, stem1_w, stem2_w, c3_w, c4_w, c5_w, lat3_w, lat4_w, lat5_w, smooth3_w, smooth4_w, smooth5_w, head_w, cls_w, box_w, kps_w):
    relu = jax.nn.relu
    h = relu(conv(x, stem1_w, 2))
    h = relu(conv(h, stem2_w, 2))
    c3 = relu(conv(h, c3_w, 2))
    c4 = relu(conv(c3, c4_w, 2))
    c5 = relu(conv(c4, c5_w, 2))
    p5 = conv(c5, lat5_w)
    p4 = conv(c4, lat4_w) + up2(p5)
    p3 = conv(c3, lat3_w) + up2(p4)
    p3 = relu(conv(p3, smooth3_w))
    p4 = relu(conv(p4, smooth4_w))
    p5 = relu(conv(p5, smooth5_w))
    na, nc = 2, 1
    sc_l, bx_l, kp_l = [], [], []
    for f, s in zip((p3, p4, p5), (8, 16, 32)):
        t = relu(conv(f, head_w))
        cls = conv(t, cls_w)
        box = conv(t, box_w)
        kp = conv(t, kps_w)
        b, _, hh, ww = cls.shape
        ac = anchor_centers(hh, ww, s, na)
        sm = jax.nn.sigmoid(cls.reshape(b, na, nc, hh, ww).transpose(0, 3, 4, 1, 2).reshape(b, -1, nc))
        sc = jnp.max(sm, axis=-1)
        bb = box.reshape(b, na, 4, hh, ww).transpose(0, 3, 4, 1, 2).reshape(b, -1, 4) * s
        x1 = ac[None, :, 0] - bb[..., 0]
        y1 = ac[None, :, 1] - bb[..., 1]
        x2 = ac[None, :, 0] + bb[..., 2]
        y2 = ac[None, :, 1] + bb[..., 3]
        bxs = jnp.stack([x1, y1, x2, y2], -1)
        kk = kp.reshape(b, na, 10, hh, ww).transpose(0, 3, 4, 1, 2).reshape(b, -1, 10) * s
        kx = ac[None, :, 0:1] + kk[..., 0::2]
        ky = ac[None, :, 1:2] + kk[..., 1::2]
        kps_dec = jnp.stack([kx, ky], -1).reshape(b, -1, 10)
        sc_l.append(sc)
        bx_l.append(bxs)
        kp_l.append(kps_dec)
    scores = jnp.concatenate(sc_l, 1)
    boxes = jnp.concatenate(bx_l, 1)
    kpss = jnp.concatenate(kp_l, 1)
    K = 1000
    vals, idx = jax.lax.top_k(scores, K)
    boxes_k = jnp.take_along_axis(boxes, idx[..., None], axis=1)
    kps_k = jnp.take_along_axis(kpss, idx[..., None], axis=1)
    keep = jax.lax.stop_gradient(jax.vmap(lambda bx: nms_keep(bx, 0.45))(boxes_k))
    out = jnp.concatenate([vals[..., None], boxes_k, kps_k], -1) * keep[..., None].astype(jnp.float32)
    return out

if __name__ == "__main__":
    import jax
    _d = setup_inputs()
    print(jax.jit(kernel)(*tuple(_d.values())))

</pallas_src>

<mosaic_0001>
module attributes {stable_mosaic.version = 14 : i64} {
  func.func @_nms_direct_kernel(%arg0: i32, %arg1: memref<1x1x1000xf32, #tpu.memory_space<vmem>>, %arg2: memref<1x1000x4xf32, #tpu.memory_space<vmem>>, %arg3: memref<1x1000x10xf32, #tpu.memory_space<vmem>>, %arg4: memref<1x15x1000xf32, #tpu.memory_space<vmem>>) attributes {dimension_semantics = [#tpu.dimension_semantics<arbitrary>], iteration_bounds = array<i64: 4>, scalar_prefetch = 0 : i64, scratch_operands = 0 : i64, tpu.core_type = #tpu.core_type<tc>, window_params = [{transform_indices = @transform_0, window_bounds = array<i64: 1, 1, 1000>}, {transform_indices = @transform_1, window_bounds = array<i64: 1, 1000, 4>}, {transform_indices = @transform_2, window_bounds = array<i64: 1, 1000, 10>}, {transform_indices = @transform_3, window_bounds = array<i64: 1, 15, 1000>}]} {
    %get3A = arith.constant 0 : index
    %get3A_0 = arith.constant 0 : index
    %get3A_1 = arith.constant 0 : index
    %get3A_2 = vector.load %arg1[%get3A, %get3A_0, %get3A_1] : memref<1x1x1000xf32, #tpu.memory_space<vmem>>, vector<1x1x1000xf32>
    %get3A_3 = vector.shape_cast %get3A_2 : vector<1x1x1000xf32> to vector<1x1000xf32>
    %get3A_4 = arith.constant 0 : index
    %get3A_5 = arith.constant 0 : index
    %get3A_6 = arith.constant 0 : index
    %get3A_7 = vector.load %arg2[%get3A_4, %get3A_5, %get3A_6] : memref<1x1000x4xf32, #tpu.memory_space<vmem>>, vector<1x1000x4xf32>
    %get3A_8 = vector.shape_cast %get3A_7 : vector<1x1000x4xf32> to vector<1000x4xf32>
    %get3A_9 = arith.constant 0 : index
    %get3A_10 = arith.constant 0 : index
    %get3A_11 = arith.constant 0 : index
    %get3A_12 = vector.load %arg3[%get3A_9, %get3A_10, %get3A_11] : memref<1x1000x10xf32, #tpu.memory_space<vmem>>, vector<1x1000x10xf32>
    %get3A_13 = vector.shape_cast %get3A_12 : vector<1x1000x10xf32> to vector<1000x10xf32>
    %transpose3A = tpu.transpose %get3A_8, [1, 0] : vector<1000x4xf32> -> vector<4x1000xf32>
    %slice3A = vector.extract_strided_slice %get3A_8 {offsets = [0, 0], sizes = [1000, 1], strides = [1, 1]} : vector<1000x4xf32> to vector<1000x1xf32>
    %slice3A_14 = vector.extract_strided_slice %get3A_8 {offsets = [0, 1], sizes = [1000, 1], strides = [1, 1]} : vector<1000x4xf32> to vector<1000x1xf32>
    %slice3A_15 = vector.extract_strided_slice %get3A_8 {offsets = [0, 2], sizes = [1000, 1], strides = [1, 1]} : vector<1000x4xf32> to vector<1000x1xf32>
    %slice3A_16 = vector.extract_strided_slice %get3A_8 {offsets = [0, 3], sizes = [1000, 1], strides = [1, 1]} : vector<1000x4xf32> to vector<1000x1xf32>
    %slice3A_17 = vector.extract_strided_slice %transpose3A {offsets = [0, 0], sizes = [1, 1000], strides = [1, 1]} : vector<4x1000xf32> to vector<1x1000xf32>
    %slice3A_18 = vector.extract_strided_slice %transpose3A {offsets = [1, 0], sizes = [1, 1000], strides = [1, 1]} : vector<4x1000xf32> to vector<1x1000xf32>
    %slice3A_19 = vector.extract_strided_slice %transpose3A {offsets = [2, 0], sizes = [1, 1000], strides = [1, 1]} : vector<4x1000xf32> to vector<1x1000xf32>
    %slice3A_20 = vector.extract_strided_slice %transpose3A {offsets = [3, 0], sizes = [1, 1000], strides = [1, 1]} : vector<4x1000xf32> to vector<1x1000xf32>
    %sub3A = arith.subf %slice3A_19, %slice3A_17 : vector<1x1000xf32>
    %max3A = arith.constant 0.000000e+00 : f32
    %max3A_21 = vector.broadcast %max3A : f32 to vector<1x1000xf32>
    %max3A_22 = arith.maximumf %sub3A, %max3A_21 : vector<1x1000xf32>
    %sub3A_23 = arith.subf %slice3A_20, %slice3A_18 : vector<1x1000xf32>
    %max3A_24 = arith.constant 0.000000e+00 : f32
    %max3A_25 = vector.broadcast %max3A_24 : f32 to vector<1x1000xf32>
    %max3A_26 = arith.maximumf %sub3A_23, %max3A_25 : vector<1x1000xf32>
    %mul3A = arith.mulf %max3A_22, %max3A_26 : vector<1x1000xf32>
    %sub3A_27 = arith.subf %slice3A_15, %slice3A : vector<1000x1xf32>
    %max3A_28 = arith.constant 0.000000e+00 : f32
    %max3A_29 = vector.broadcast %max3A_28 : f32 to vector<1000x1xf32>
    %max3A_30 = arith.maximumf %sub3A_27, %max3A_29 : vector<1000x1xf32>
    %sub3A_31 = arith.subf %slice3A_16, %slice3A_14 : vector<1000x1xf32>
    %max3A_32 = arith.constant 0.000000e+00 : f32
    %max3A_33 = vector.broadcast %max3A_32 : f32 to vector<1000x1xf32>
    %max3A_34 = arith.maximumf %sub3A_31, %max3A_33 : vector<1000x1xf32>
    %mul3A_35 = arith.mulf %max3A_30, %max3A_34 : vector<1000x1xf32>
    %max3A_36 = vector.broadcast %slice3A : vector<1000x1xf32> to vector<1000x1000xf32>
    %max3A_37 = vector.broadcast %slice3A_17 : vector<1x1000xf32> to vector<1000x1000xf32>
    %max3A_38 = arith.maximumf %max3A_36, %max3A_37 : vector<1000x1000xf32>
    %max3A_39 = vector.broadcast %slice3A_14 : vector<1000x1xf32> to vector<1000x1000xf32>
    %max3A_40 = vector.broadcast %slice3A_18 : vector<1x1000xf32> to vector<1000x1000xf32>
    %max3A_41 = arith.maximumf %max3A_39, %max3A_40 : vector<1000x1000xf32>
    %min3A = vector.broadcast %slice3A_15 : vector<1000x1xf32> to vector<1000x1000xf32>
    %min3A_42 = vector.broadcast %slice3A_19 : vector<1x1000xf32> to vector<1000x1000xf32>
    %min3A_43 = arith.minimumf %min3A, %min3A_42 : vector<1000x1000xf32>
    %min3A_44 = vector.broadcast %slice3A_16 : vector<1000x1xf32> to vector<1000x1000xf32>
    %min3A_45 = vector.broadcast %slice3A_20 : vector<1x1000xf32> to vector<1000x1000xf32>
    %min3A_46 = arith.minimumf %min3A_44, %min3A_45 : vector<1000x1000xf32>
    %sub3A_47 = arith.subf %min3A_43, %max3A_38 : vector<1000x1000xf32>
    %max3A_48 = arith.constant 0.000000e+00 : f32
    %max3A_49 = vector.broadcast %max3A_48 : f32 to vector<1000x1000xf32>
    %max3A_50 = arith.maximumf %sub3A_47, %max3A_49 : vector<1000x1000xf32>
    %sub3A_51 = arith.subf %min3A_46, %max3A_41 : vector<1000x1000xf32>
    %max3A_52 = arith.constant 0.000000e+00 : f32
    %max3A_53 = vector.broadcast %max3A_52 : f32 to vector<1000x1000xf32>
    %max3A_54 = arith.maximumf %sub3A_51, %max3A_53 : vector<1000x1000xf32>
    %mul3A_55 = arith.mulf %max3A_50, %max3A_54 : vector<1000x1000xf32>
    %add3A = vector.broadcast %mul3A_35 : vector<1000x1xf32> to vector<1000x1000xf32>
    %add3A_56 = vector.broadcast %mul3A : vector<1x1000xf32> to vector<1000x1000xf32>
    %add3A_57 = arith.addf %add3A, %add3A_56 : vector<1000x1000xf32>
    %sub3A_58 = arith.subf %add3A_57, %mul3A_55 : vector<1000x1000xf32>
    %add3A_59 = arith.constant 9.99999971E-10 : f32
    %add3A_60 = vector.broadcast %add3A_59 : f32 to vector<1000x1000xf32>
    %add3A_61 = arith.addf %sub3A_58, %add3A_60 : vector<1000x1000xf32>
    %div3A = arith.divf %mul3A_55, %add3A_61 : vector<1000x1000xf32>
    %iota3A = tpu.iota {dimensions = array<i32: 0>} : vector<1000x1000xi32>
    %iota3A_62 = tpu.iota {dimensions = array<i32: 1>} : vector<1000x1000xi32>
    %gt3A = arith.constant 4.500000e-01 : f32
    %gt3A_63 = vector.broadcast %gt3A : f32 to vector<1000x1000xf32>
    %gt3A_64 = arith.cmpf ogt, %div3A, %gt3A_63 : vector<1000x1000xf32>
    %lt3A = arith.cmpi slt, %iota3A, %iota3A_62 : vector<1000x1000xi32>
    %and3A = arith.andi %gt3A_64, %lt3A : vector<1000x1000xi1>
    %jit3A = arith.constant 1.000000e+00 : f32
    %jit3A_65 = arith.constant 0.000000e+00 : f32
    %broadcast_in_dim3A = vector.broadcast %jit3A : f32 to vector<1000x1000xf32>
    %broadcast_in_dim3A_66 = vector.broadcast %jit3A_65 : f32 to vector<1000x1000xf32>
    %select_n3A = arith.select %and3A, %broadcast_in_dim3A, %broadcast_in_dim3A_66 : vector<1000x1000xi1>, vector<1000x1000xf32>
    %broadcast_in_dim3A_67 = arith.constant 1.000000e+00 : f32
    %broadcast_in_dim3A_68 = vector.broadcast %broadcast_in_dim3A_67 : f32 to vector<1x1000xf32>
    %while3A = arith.constant true
    %while3A_69:2 = scf.while (%while3A_78 = %broadcast_in_dim3A_68, %while3A_79 = %while3A) : (vector<1x1000xf32>, i1) -> (vector<1x1000xf32>, i1) {
      scf.condition(%while3A_79) %while3A_78, %while3A_79 : vector<1x1000xf32>, i1
    } do {
    ^bb0(%while3A_78: vector<1x1000xf32>, %while3A_79: i1):
      %dot_general3A = arith.constant dense<0.000000e+00> : vector<1x1000xf32>
      %dot_general3A_80 = tpu.matmul %while3A_78, %select_n3A, %dot_general3A {dimension_numbers = #tpu.dot_dimension_numbers<[1], [0], [0], [1], [0, 0, 1, 1], [], []>, transpose_lhs_hint = false} : vector<1x1000xf32>, vector<1000x1000xf32>, vector<1x1000xf32> -> vector<1x1000xf32>
      %gt3A_81 = arith.constant 5.000000e-01 : f32
      %gt3A_82 = vector.broadcast %gt3A_81 : f32 to vector<1x1000xf32>
      %gt3A_83 = arith.cmpf ogt, %dot_general3A_80, %gt3A_82 : vector<1x1000xf32>
      %jit3A_84 = arith.constant 0.000000e+00 : f32
      %jit3A_85 = arith.constant 1.000000e+00 : f32
      %broadcast_in_dim3A_86 = vector.broadcast %jit3A_84 : f32 to vector<1x1000xf32>
      %broadcast_in_dim3A_87 = vector.broadcast %jit3A_85 : f32 to vector<1x1000xf32>
      %select_n3A_88 = arith.select %gt3A_83, %broadcast_in_dim3A_86, %broadcast_in_dim3A_87 : vector<1x1000xi1>, vector<1x1000xf32>
      %ne3A = arith.cmpf one, %select_n3A_88, %while3A_78 : vector<1x1000xf32>
      %reduce_or3A = arith.constant 1.000000e+00 : f32
      %reduce_or3A_89 = arith.constant 0.000000e+00 : f32
      %reduce_or3A_90 = vector.broadcast %reduce_or3A : f32 to vector<1x1000xf32>
      %reduce_or3A_91 = vector.broadcast %reduce_or3A_89 : f32 to vector<1x1000xf32>
      %reduce_or3A_92 = arith.select %ne3A, %reduce_or3A_90, %reduce_or3A_91 : vector<1x1000xi1>, vector<1x1000xf32>
      %reduce_or3A_93 = vector.shape_cast %reduce_or3A_92 : vector<1x1000xf32> to vector<1x1x1000xf32>
      %reduce_or3A_94 = arith.constant dense<0xFF800000> : vector<1xf32>
      %reduce_or3A_95 = vector.multi_reduction <maximumf>, %reduce_or3A_93, %reduce_or3A_94 [1, 2] : vector<1x1x1000xf32> to vector<1xf32>
      %reduce_or3A_96 = vector.shape_cast %reduce_or3A_95 : vector<1xf32> to vector<1x1x1xf32>
      %reduce_or3A_97 = vector.extract %reduce_or3A_96[0, 0, 0] : f32 from vector<1x1x1xf32>
      %reduce_or3A_98 = arith.constant 0.000000e+00 : f32
      %reduce_or3A_99 = arith.cmpf ogt, %reduce_or3A_97, %reduce_or3A_98 : f32
      scf.yield %select_n3A_88, %reduce_or3A_99 : vector<1x1000xf32>, i1
    }
    %transpose3A_70 = tpu.transpose %get3A_13, [1, 0] : vector<1000x10xf32> -> vector<10x1000xf32>
    %concatenate3A = tpu.concatenate %get3A_3, %transpose3A, %transpose3A_70 in 0 : vector<1x1000xf32>, vector<4x1000xf32>, vector<10x1000xf32> -> vector<15x1000xf32>
    %mul3A_71 = vector.broadcast %while3A_69#0 : vector<1x1000xf32> to vector<15x1000xf32>
    %mul3A_72 = arith.mulf %concatenate3A, %mul3A_71 : vector<15x1000xf32>
    %swap3A = arith.constant 0 : index
    %swap3A_73 = arith.constant 0 : index
    %swap3A_74 = arith.constant 0 : index
    %swap3A_75 = vector.load %arg4[%swap3A, %swap3A_73, %swap3A_74] : memref<1x15x1000xf32, #tpu.memory_space<vmem>>, vector<1x15x1000xf32>
    %swap3A_76 = vector.shape_cast %swap3A_75 : vector<1x15x1000xf32> to vector<15x1000xf32>
    %swap3A_77 = vector.shape_cast %mul3A_72 : vector<15x1000xf32> to vector<1x15x1000xf32>
    tpu.vector_store %arg4[%swap3A, %swap3A_73, %swap3A_74], %swap3A_77 {strides = array<i32>} : memref<1x15x1000xf32, #tpu.memory_space<vmem>>, vector<1x15x1000xf32>,
    return
  }
  func.func @transform_0(%arg0: i32) -> (i32, i32, i32) {
    %c0_i32 = arith.constant 0 : i32
    %c0_i32_0 = arith.constant 0 : i32
    %c0_i32_1 = arith.constant 0 : i32
    return %arg0, %c0_i32, %c0_i32_0 : i32, i32, i32
  }
  func.func @transform_1(%arg0: i32) -> (i32, i32, i32) {
    %c0_i32 = arith.constant 0 : i32
    %c0_i32_0 = arith.constant 0 : i32
    %c0_i32_1 = arith.constant 0 : i32
    return %arg0, %c0_i32, %c0_i32_0 : i32, i32, i32
  }
  func.func @transform_2(%arg0: i32) -> (i32, i32, i32) {
    %c0_i32 = arith.constant 0 : i32
    %c0_i32_0 = arith.constant 0 : i32
    %c0_i32_1 = arith.constant 0 : i32
    return %arg0, %c0_i32, %c0_i32_0 : i32, i32, i32
  }
  func.func @transform_3(%arg0: i32) -> (i32, i32, i32) {
    %c0_i32 = arith.constant 0 : i32
    %c0_i32_0 = arith.constant 0 : i32
    %c0_i32_1 = arith.constant 0 : i32
    return %arg0, %c0_i32, %c0_i32_0 : i32, i32, i32
  }
}

</mosaic_0001>

<sc_bundles>
// kernel: gather_offload_async_start.1
scs
__scs_entry_jumppad:
0x0: {  	(pc) =	sbr.rel $0x88, $3  }
0x1: {  	(tag) =	ssettag $0x0;
	lr =	simm.s32 $0x1  }
0x2: {  	[smem:$0x3F91] =	sst lr;
	_ =	strace $0xD0000000  }
0x3: {  	_ = 	snop  }
0x4: {  	_ = 	snop  }
0x5: {  	_ = 	snop  }
0x6: {  	_ = 	snop  }
0x7: {  	_ = 	snop  }
__scs_overlays_trampoline_lowered:
0x8: {  	[smem:$0x3FA0] =	sst s0  }
0x9: {  	[smem:$0x3FA1] =	sst s1  }
0xa: {  	[smem:$0x3FA2] =	sst s2  }
0xb: {  	[smem:$0x3FA3] =	sst s3  }
0xc: {  	[smem:$0x3FA4] =	sst s4  }
0xd: {  	[smem:$0x3FA5] =	sst s5  }
0xe: {  	[smem:$0x3FA6] =	sst s6  }
0xf: {  	[smem:$0x3FA7] =	sst s7  }
0x10: {  	[smem:$0x3FA8] =	sst s8  }
0x11: {  	[smem:$0x3FA9] =	sst s9;
	s0 =	simm.s32 @!p0 $0x0  }
0x12: {  	s1 =	sld [smem:$0x3F8F];
	s0 =	simm.s32 @p0 $0x1  }
0x13: {  	[smem:$0x3FAA] =	sst s0;
	s0 =	simm.s32 @!p1 $0x0  }
0x14: {  	s2 =	sld [smem:$0x3F8E];
	s0 =	simm.s32 @p1 $0x1  }
0x15: {  	[smem:$0x3FAB] =	sst s0;
	s0 =	simm.s32 @!p2 $0x0  }
0x16: {  	s3 =	sld [smem:$0x3FDB];
	s0 =	simm.s32 @p2 $0x1  }
0x17: {  	s4 =	simm.s32 $0x1BF5;
	[smem:$0x3FAD] =	sst s0  }
0x18: {  	s0 =	sld [smem:$0x3F90];
	_ =	swait.ge [sflag:s4], $0x0  }
0x19: {  	s7 =	sld [smem:$0x3F91]  }
0x1a: {  	s8 =	sadd.s32 $0xFFFFE003, lr  }
0x1b: {  	s9 =	sadd.s32 $0xFFFFFEF7, lr;
	s5 =	simm.s32 $0xFFFFFFFF;
	p2 =	slt.u32 s8, $0xFFFFF086  }
0x1c: {  	p1 =	slt.u32 s9, $0xF7A;
	s5 =	simm.s32 @!p2 $0x0  }
0x1d: {  	s5 =	simm.s32 @p1 $0x1;
	p0 =	seq.s32 s7, s2  }
0x1e: {  	s7 =	smul.u32 @!p0 $0xF7A, s2;
	p2 =	seq.s32 @!p0 s5, $0x0  }
0x1f: {  	s9 =	smul.u32 $0xF7A, s1;
	s8 =	simm.s32 @!p0 $0x1BF5;
	p2 =	por !p2, p0  }
0x20: {  	[sflag:s8] =	ssyncset.s32 @!p0 $0xFFFFF086;
	s6 =	sadd.s32 @!p0 s3, s7;
	s7 =	simm.s32 @!p0 $0x108  }
0x21: {  	s3 =	sadd.s32 s3, s9;
	s6 =	sadd.s32 @!p0 $0x88, s6;
	s7 =	simm.s32 @p2 $0x1082  }
0x22: {  	[simem:s7], [sflag:s8] =	dma.local @!p0 [hbm:s6], $0xF7A  }
0x23: {  	s9 =	sor.u32 $0xD0000000, s2;
	s6 =	simm.s32 $0x108;
	_ =	swait.ge @!p0 [sflag:s8], $0x0  }
0x24: {  	s3 =	sadd.s32 $0x88, s3;
	s6 =	simm.s32 @!p1 $0x1082;
	[sflag:s4] =	ssyncset.s32 $0xFFFFF086  }
0x25: {  	[simem:s6], [sflag:s4] =	dma.local [hbm:s3], $0xF7A  }
0x26: {  	[smem:$0x3F91] =	sst s1;
	(tag) =	ssettag s2;
	_ =	strace s9  }
0x27: {  	s1 =	sld [smem:$0x3FA1]  }
0x28: {  	s2 =	sld [smem:$0x3FA2]  }
0x29: {  	s4 =	sld [smem:$0x3FA4]  }
0x2a: {  	p0 =	seq.s32 s5, $0x0;
	s5 =	sld [smem:$0x3FA5]  }
0x2b: {  	s6 =	sld [smem:$0x3FA6]  }
0x2c: {  	s7 =	sld [smem:$0x3FA7]  }
0x2d: {  	s3 =	simm.s32 $0x108;
	s8 =	sld [smem:$0x3FA8]  }
0x2e: {  	s3 =	simm.s32 @!p0 $0x1082;
	s9 =	sld [smem:$0x3FA9]  }
0x2f: {  	lr =	sadd.s32 s0, s3;
	s0 =	sld [smem:$0x3FA0]  }
0x30: {  	s3 =	sld [smem:$0x3FA3]  }
0x31: {  	[smem:$0x3FAC] =	sst s10  }
0x32: {  	s10 =	sld [smem:$0x3FAA];
	_ =	sdelay $0x3  }
0x33: {  	p0 =	seq.s32 s10, $0x1;
	s10 =	sld [smem:$0x3FAC];
	_ =	sdelay $0x3  }
0x34: {  	[smem:$0x3FAC] =	sst s10  }
0x35: {  	s10 =	sld [smem:$0x3FAB];
	_ =	sdelay $0x3  }
0x36: {  	p1 =	seq.s32 s10, $0x1;
	s10 =	sld [smem:$0x3FAC];
	_ =	sdelay $0x3  }
0x37: {  	[smem:$0x3FAC] =	sst s10  }
0x38: {  	s10 =	sld [smem:$0x3FAD]  }
0x39: {  	_ = 	snop;
	(pc) =	sbr.ind lr, $3  }
0x3a: {  	_ = 	snop  }
0x3b: {  	_ = 	snop  }
0x3c: {  	p2 =	seq.s32 s10, $0x1;
	s10 =	sld [smem:$0x3FAC]  }
0x3d: {  	_ =	shalt  }
0x3e: {  	_ =	shalt  }
0x3f: {  	_ =	shalt  }
0x40: {  	_ =	shalt  }
0x41: {  	_ =	shalt  }
0x42: {  	_ =	shalt  }
0x43: {  	_ =	shalt  }
0x44: {  	_ =	shalt  }
0x45: {  	_ =	shalt  }
0x46: {  	_ =	shalt  }
0x47: {  	_ =	shalt  }
0x48: {  	_ =	shalt  }
0x49: {  	_ =	shalt  }
0x4a: {  	_ =	shalt  }
0x4b: {  	_ =	shalt  }
0x4c: {  	_ =	shalt  }
0x4d: {  	_ =	shalt  }
0x4e: {  	_ =	shalt  }
0x4f: {  	_ =	shalt  }
0x50: {  	_ =	shalt  }
0x51: {  	_ =	shalt  }
0x52: {  	_ =	shalt  }
0x53: {  	_ =	shalt  }
0x54: {  	_ =	shalt  }
0x55: {  	_ =	shalt  }
0x56: {  	_ =	shalt  }
0x57: {  	_ =	shalt  }
0x58: {  	_ =	shalt  }
0x59: {  	_ =	shalt  }
0x5a: {  	_ =	shalt  }
0x5b: {  	_ =	shalt  }
0x5c: {  	_ =	shalt  }
0x5d: {  	_ =	shalt  }
0x5e: {  	_ =	shalt  }
0x5f: {  	_ =	shalt  }
0x60: {  	_ =	shalt  }
0x61: {  	_ =	shalt  }
0x62: {  	_ =	shalt  }
0x63: {  	_ =	shalt  }
0x64: {  	_ =	shalt  }
0x65: {  	_ =	shalt  }
0x66: {  	_ =	shalt  }
0x67: {  	_ =	shalt  }
0x68: {  	_ =	shalt  }
0x69: {  	_ =	shalt  }
0x6a: {  	_ =	shalt  }
0x6b: {  	_ =	shalt  }
0x6c: {  	_ =	shalt  }
0x6d: {  	_ =	shalt  }
0x6e: {  	_ =	shalt  }
0x6f: {  	_ =	shalt  }
0x70: {  	_ =	shalt  }
0x71: {  	_ =	shalt  }
0x72: {  	_ =	shalt  }
0x73: {  	_ =	shalt  }
0x74: {  	_ =	shalt  }
0x75: {  	_ =	shalt  }
0x76: {  	_ =	shalt  }
0x77: {  	_ =	shalt  }
0x78: {  	_ =	shalt  }
0x79: {  	_ =	shalt  }
0x7a: {  	_ =	shalt  }
0x7b: {  	_ =	shalt  }
0x7c: {  	_ =	shalt  }
0x7d: {  	_ =	shalt  }
0x7e: {  	_ =	shalt  }
0x7f: {  	_ =	shalt  }
0x80: {  	_ =	shalt  }
0x81: {  	_ =	shalt  }
0x82: {  	_ =	shalt  }
0x83: {  	_ =	shalt  }
0x84: {  	_ =	shalt  }
0x85: {  	_ =	shalt  }
0x86: {  	_ =	shalt  }
0x87: {  	_ =	shalt  }
.Lfunc_end0:
.L_simem_size_0:
called_computation.1_lowered:
.L_overlay_start_0:
0x88: {  	s2 =	sld [smem:$0x3FD9]  }
0x89: {  	s3 =	sld [smem:$0x3FFE];
	_ =	sdelay $0x1  }
0x8a: {  	s1 =	srdreg.scid  }
0x8b: {  	s0 =	sand.u32 $0x1, s1  }
0x8c: {  	s17 =	sshll.u32 s0, $0xA;
	s2 =	sadd.s32 s3, s2  }
0x8d: {  	s2 =	sadd.s32 s2, s17  }
0x8e: {  	[smem:$0x3FB8] =	sst s2  }
0x8f: {  	_ = 	snop  }
0x90: {  	(tm) =	ssettm $0x1  }
0x91: {  	s18 =	sld [smem:$0x3FFB];
	_ =	sdelay $0x3  }
0x92: {  	_ =	strace s18  }
0x93: {  	s2 =	sld [smem:$0x3FFC];
	_ =	sdelay $0x3  }
0x94: {  	_ =	strace s2  }
0x95: {  	s2 =	sld [smem:$0x3FFD];
	_ =	sdelay $0x3  }
0x96: {  	_ =	strace s2  }
0x97: {  	_ =	strace $0x8FFFFFFF  }
0x98: {  	s19 =	sld [smem:$0x3FDB];
	_ =	sdelay $0x1  }
0x99: {  	s20 =	simm.s32 $_scs_section_size  }
0x9a: {  	s4 =	simm.s32 $_size__tile_overlayer_lowered;
	s5 =	simm.s32 $_tile_overlayer_lowered  }
0x9b: {  	s6 =	simm.s32 $0x1BFF;
	s21 =	sshll.u32 s5, $0x1;
	s3 =	sadd.s32 s20, s19  }
0x9c: {  	s22 =	simm.s32 $0x0;
	s4 =	sshll.u32 s4, $0x1;
	s5 =	sadd.s32 s21, s3  }
0x9d: {  	[timem:s22], [sflag:s6] =	dma.local [hbm:s5], s4  }
0x9e: {  	_ =	swait.ge [sflag:s6], s4  }
0x9f: {  	s4 =	ssub.s32 $0x0, s4;
	[sflag:s6] =	ssyncset.done $0x0  }
0xa0: {  	[sflag:s6] =	ssyncadd.s32 s4;
	_ =	sdelay $0x1  }
0xa1: {  	s23 =	simm.s32 $0x1B8B  }
0xa2: {  	_ =	swait.ge [sflag:s23], $0x1  }
0xa3: {  	[sflag:s23] =	ssyncset.done $0x0  }
0xa4: {  	[sflag:s23] =	ssyncadd.s32 $0xFFFFFFFF  }
0xa5: {  	s4 =	sld [smem:$0x0]  }
0xa6: {  	s5 =	sand.u32 $0xFFFFFFFE, s1  }
0xa7: {  	p0 =	sne.s32 s1, s5  }
0xa8: {  	s5 =	sshll.u32 @p0 s5, $0xE  }
0xa9: {  	s5 =	sadd.s32 @p0 $0x11B8D, s5;
	s6 =	sshll.u32 @p0 s4, $0x11  }
0xaa: {  	s5 =	sor.u32 @p0 s6, s5  }
0xab: {  	[sflag:s5] =	ssyncadd.remote.s32 @p0 $0x1;
	_ =	sdelay $0x1  }
0xac: {  	s5 =	simm.s32 @p0 $0x1B8D  }
0xad: {  	_ =	swait.eq @p0 [sflag:s5], $0x1  }
0xae: {  	[sflag:s5] =	ssyncadd.s32 @p0 $0xFFFFFFFF  }
0xaf: {  	s6 =	sshll.u32 @!p0 s1, $0xE  }
0xb0: {  	s6 =	sor.u32 @!p0 $0x4000, s6;
	s5 =	simm.s32 @!p0 $0x1B8D  }
0xb1: {  	s4 =	sshll.u32 @!p0 s4, $0x11;
	s6 =	sadd.s32 @!p0 $0x11B8D, s6;
	_ =	swait.eq @!p0 [sflag:s5], $0x1  }
0xb2: {  	s4 =	sor.u32 @!p0 s4, s6;
	[sflag:s5] =	ssyncadd.s32 @!p0 $0xFFFFFFFF  }
0xb3: {  	s25 =	simm.s32 $0x1B8E;
	s24 =	sld [smem:$0x3FFE];
	[sflag:s4] =	ssyncadd.remote.s32 @!p0 $0x1  }
0xb4: {  	s26 =	simm.s32 $execute0_lowered;
	[smem:$0x3FD2] =	sst s25  }
0xb5: {  	s5 =	sshll.u32 s26, $0x1;
	_ =	strace $0x80000049;
	[dreg:$0x1] =	wrdreg $0xFFFFFFFF  }
0xb6: {  	s28 =	simm.s32 $_size_execute0_lowered;
	s3 =	sadd.s32 s3, s5;
	[dreg:$0x0] =	wrdreg $0x0  }
0xb7: {  	s5 =	sshll.u32 s28, $0x1;
	[dreg:$0x2] =	wrdreg s3  }
0xb8: {  	[dreg:$0x3] =	wrdreg s5  }
0xb9: {  	[dreg:$0x4] =	wrdreg $0xC0  }
0xba: {  	_ =	task [dreg:s22], $0x5FFFF  }
0xbb: {  	[dreg:$0x1] =	wrdreg $0xFFFFFFFF  }
0xbc: {  	[dreg:$0x0] =	wrdreg $0x60  }
0xbd: {  	[dreg:$0x2] =	wrdreg s24  }
0xbe: {  	[dreg:$0x3] =	wrdreg $0xA  }
0xbf: {  	_ =	task.clear_ibuf [dreg:s22], $0x4FFFF;
	_ =	strace $0x90000049  }
0xc0: {  	s29 =	simm.s32 $0xA;
	_ =	strace $0x8000004B  }
0xc1: {  	_ =	swait.ge [sflag:s29], $0x1  }
0xc2: {  	[sflag:s29] =	ssyncadd.s32 $0xFFFFFFFF  }
0xc3: {  	_ =	strace $0x9000004B  }
0xc4: {  	_ =	sfence  }
0xc5: {  	s30 =	sld [smem:$0x0];
	_ =	sdelay $0x2  }
0xc6: {  	s31 =	sshll.u32 s1, $0xD;
	s1 =	sshrl.u32 s1, $0x2  }
0xc7: {  	s4 =	sand.u32 $0x4000, s31;
	s1 =	sadd.s32 s1, s30  }
0xc8: {  	s0 =	sor.u32 s4, s0;
	s1 =	sshll.u32 s1, $0x11  }
0xc9: {  	s0 =	sor.u32 s1, s0  }
0xca: {  	s0 =	sadd.s32 $0x8F2B, s0  }
0xcb: {  	[sflag:s0] =	ssyncadd.remote.s32 $0x1  }
0xcc: {  	_ =	sfence.sel $0xFFFF  }
0xcd: {  	[dreg:$0x0] =	wrdreg $0xFFFFFFFF;
	(pc) =	sbr.abs _section_cstart, $3  }
0xce: {  	[dreg:$0x1] =	wrdreg $0xFFFFFFFF  }
0xcf: {  	_ =	task.clear_ibuf [dreg:s22], $0x2FFFF;
	_ =	strace $0x9FFFFFFF  }
0xd0: {  	(tm) =	ssettm $0x7FFFFFFF  }
0xd1: {  	_ =	shalt  }
tec
execute0_lowered:
.L_overlay_start_1:
0x0: {  	(tag) =	ssettag $0x1  }
0x1: {  	s0 =	srdreg.scid  }
0x2: {  	s1 =	sshll.u32 s0, $0x4  }
0x3: {  	s0 =	stileid.u32;
	s1 =	sand.u32 $0x10, s1  }
0x4: {  	s1 =	sor.u32 s0, s1  }
0x5: {  	s2 =	smin.u32 s1, $0x12  }
0x6: {  	s2 =	sadd.s32 s1, s2  }
0x7: {  	p0 =	slt.u32 s1, $0x12;
	s1 =	simm.s32 $0xA0;
	s2 =	smul.u32 $0x50, s2  }
0x8: {  	s1 =	simm.s32 @!p0 $0x50  }
0x9: {  	s1 =	sadd.s32 s1, s2  }
0xa: {  	s3 =	smin.u32 s1, $0xFA0  }
0xb: {  	s7 =	ssub.s32 s3, s2  }
0xc: {  	p0 =	sgt.s32 s7, $0x0  }
0xd: {  	s7 =	simm.s32 @!p0 $0x0  }
0xe: {  	s4 =	smul.u32 $0xCCCD, s7  }
0xf: {  	s9 =	rddreg [dreg:$0x0];
	s6 =	simm.s32 $0x1;
	s11 =	simm.s32 $0x3  }
0x10: {  	s13 =	simm.s32 $0x0;
	s12 =	simm.s32 $0x0;
	s8 =	sshrl.u32 s4, $0x16  }
0x11: {  	s1 =	rddreg [dreg:$0x1];
	_ =	strace $0x8000004A;
	s10 =	smul.u32 $0x50, s8  }
.Ltmp0:
0x12: {  	s5 =	sadd.s32 $0x16E00, s9;
	[sflag:s6] =	ssyncpa.u1 $0x0;
	(pc) =	sbr.rel .LBB2_1-.Ltmp0, $4  }
0x13: {  	s4 =	sadd.s32 $0x12D200, s9;
	p0 =	sne.s32 s7, s10;
	s10 =	simm.s32 $0x1  }
0x14: {  	s9 =	sadd.s32 $0x233A00, s9;
	s7 =	simm.s32 $0x2;
	s10 =	simm.s32 @!p0 $0x0  }
0x15: {  	[sflag:s7] =	ssyncpa.u1 $0x0;
	p0 =	por $0x0, $0x0;
	s8 =	sadd.s32 s8, s10  }
0x16: {  	vm0 =	vmmov $0xff;
	vm1 =	vcmask $0x3F20;
	[sflag:s11] =	ssyncpa.u1 $0x0;
	s11 =	smov.u32 s2;
	s10 =	sadd.s32 $0x1, s8  }
.LBB2_6:
0x17: {  	[hbm:s17] =	stream.linear.scatter [tilespmem:s14], [sflag:$0x3], $0x400, $0x38;
	[tilespmem:$0x50A0] =	vst v63  }
.LBB2_7:
0x18: {  	s13 =	sadd.s32 $0x50, s11  }
0x19: {  	s15 =	smov.u32 s2;
	p2 =	slt.s32 s13, s3  }
0x1a: {  	s15 =	smov.u32 @p2 s13;
	p2 =	sne.s32 s12, s10  }
.Ltmp1:
0x1b: {  	p1 =	slt.u32 s12, $0x2;
	(pc) =	sbr.rel @!p2 .LBB2_8-.Ltmp1, $4  }
0x1c: {  	s14 =	simm.s32 @!p1 $0x3  }
0x1d: {  	s16 =	sadd.s32 $0x1, s12;
	_ =	swait.ge @!p1 [sflag:s14], $0x2800  }
0x1e: {  	p0 =	por !p0, !p0;
	s13 =	smov.u32 s11;
	[sflag:s14] =	ssyncset.done @!p1 $0x0  }
0x1f: {  	s12 =	smov.u32 s16;
	s11 =	smov.u32 s15;
	[sflag:s14] =	ssyncadd.s32 @!p1 $0xFFFFD800  }
.LBB2_1:
0x20: {  	p1 =	sge.u32 s12, s8  }
0x21: {  	s14 =	sxor.u32 @!p1 $0xFFFFFFFF, s12  }
0x22: {  	s14 =	sand.u32 @!p1 $0x1, s14  }
0x23: {  	s14 =	smul.u32 @!p1 $0x140, s14  }
0x24: {  	s31 =	sadd.s32 $0xFFFFFFFF, s12;
	s15 =	sshrl.u32 @!p1 s11, $0x3  }
0x25: {  	s16 =	sand.u32 @!p1 $0x7, s11;
	s15 =	sadd.s32 @!p1 s5, s15;
	s14 =	sshrl.u32 @!p1 s14, $0x2  }
0x26: {  	[tilespmem:s14], [sflag:$0x2] =	stream.linear.gather @!p1 [hbm4b:s15+s16], $0x50, $0x38;
	[tilespmem:$0x50A0] =	vst v63  }
0x27: {  	p1 =	sge.u32 s31, s8  }
.Ltmp2:
0x28: {  	_ = 	snop;
	(pc) =	sbr.rel @p1 .LBB2_7-.Ltmp2, $1  }
0x29: {  	_ =	sdelay $0x3  }
0x2a: {  	s14 =	simm.s32 $0x1  }
0x2b: {  	s14 =	simm.s32 @!p0 $0x0  }
0x2c: {  	s15 =	smul.u32 $0x140, s14  }
0x2d: {  	_ =	swait.ge [sflag:s7], $0x50  }
0x2e: {  	[sflag:s7] =	ssyncset.done $0x0;
	s16 =	sshrl.u32 s15, $0x2  }
0x2f: {  	[sflag:s7] =	ssyncadd.s32 $0xFFFFFFB0;
	s15 =	sadd.s32 $0x0, s16  }
0x30: {  	v0 =	vld.msk [tilespmem:s15+$0x0 ss:$0x1], $0xffff;
	_ =	sdelay $0x4  }
0x31: {  	v1 =	vand.u32 $0x3, v0;
	v2 =	vshll.u32 v0, $0x5  }
0x32: {  	vm2 =	veq.s32 v0, $0x80000000;
	v0 =	vmul.u32 $0x20D000, v1;
	v1 =	vand.u32 $0x3FFF80, v2  }
0x33: {  	v1 =	vsel vm2, $0xFFFFFF80, v1  }
0x34: {  	v0 =	vsel vm2, $0xFFDF3000, v0;
	v2 =	vand.u32 $0xFFFFFC00, v1  }
0x35: {  	v1 =	vand.u32 $0x380, v1;
	v0 =	vadd.s32 v0, v2  }
0x36: {  	v0 =	vor.u32 v1, v0  }
0x37: {  	v0 =	vshrl.u32 v0, $0x3  }
0x38: {  	s14 =	smul.u32 $0xA000, s14;
	_ =	sdelay $0x1  }
0x39: {  	s14 =	sshrl.u32 s14, $0x2  }
0x3a: {  	s14 =	sor.u32 $0xA0, s14  }
0x3b: {  	[tilespmem:s14], [sflag:$0x1] =	stream.indirect_vreg.gather [hbm:s4], $0x80, v0, vm0, $0x38;
	[tilespmem:$0x50A0] =	vst v63  }
0x3c: {  	s17 =	sadd.s32 $0x10, s16;
	s15 =	sadd.s32 $0x400, s14  }
0x3d: {  	[tilespmem:s15], [sflag:$0x1] =	stream.indirect_vreg.gather [hbm:s4], $0x80, v0, vm1, $0x38;
	[tilespmem:$0x50A0] =	vst v63  }
0x3e: {  	s18 =	simm.s32 $0x80;
	v0 =	vld.msk [tilespmem:s17+$0x0 ss:$0x1], $0xffff;
	s17 =	smov.u32 s14  }
.LBB2_3:
0x3f: {  	p1 =	sne.s32 s18, $0x100;
	_ =	sdelay $0x4  }
0x40: {  	v1 =	vand.u32 $0x3, v0;
	v2 =	vshll.u32 v0, $0x5  }
0x41: {  	vm2 =	veq.s32 v0, $0x80000000;
	v0 =	vmul.u32 $0x20D000, v1;
	v1 =	vand.u32 $0x3FFF80, v2  }
0x42: {  	v1 =	vsel vm2, $0xFFFFFF80, v1  }
0x43: {  	v0 =	vsel vm2, $0xFFDF3000, v0;
	v2 =	vand.u32 $0xFFFFFC00, v1  }
0x44: {  	v1 =	vand.u32 $0x380, v1;
	v0 =	vadd.s32 v0, v2  }
0x45: {  	v0 =	vor.u32 v1, v0  }
0x46: {  	v0 =	vshrl.u32 v0, $0x3;
	_ =	sdelay $0x3  }
.Ltmp3:
0x47: {  	s19 =	sshra.s32 s18, $0x2;
	s17 =	sadd.s32 $0x800, s17;
	(pc) =	sbr.rel @p1 .LBB2_3-.Ltmp3, $4  }
0x48: {  	[tilespmem:s17], [sflag:$0x1] =	stream.indirect_vreg.gather [hbm:s4], $0x80, v0, vm0, $0x38;
	[tilespmem:$0x50A0] =	vst v63  }
0x49: {  	s19 =	sadd.s32 s19, s16;
	s20 =	sadd.s32 $0x400, s17  }
0x4a: {  	[tilespmem:s20], [sflag:$0x1] =	stream.indirect_vreg.gather [hbm:s4], $0x80, v0, vm1, $0x38;
	[tilespmem:$0x50A0] =	vst v63  }
0x4b: {  	s18 =	sadd.s32 $0x40, s18;
	v0 =	vld.msk [tilespmem:s19+$0x0 ss:$0x1], $0xffff  }
0x4c: {  	_ =	sdelay $0x3  }
0x4d: {  	v1 =	vand.u32 $0x3, v0;
	v2 =	vshll.u32 v0, $0x5  }
0x4e: {  	vm2 =	veq.s32 v0, $0x80000000;
	v61 =	vmul.u32 $0x20D000, v1;
	v62 =	vand.u32 $0x3FFF80, v2  }
0x4f: {  	v1 =	vsel vm2, $0xFFFFFF80, v62  }
0x50: {  	v0 =	vsel vm2, $0xFFDF3000, v61;
	v63 =	vand.u32 $0xFFFFFC00, v1  }
0x51: {  	v1 =	vand.u32 $0x380, v1;
	v0 =	vadd.s32 v0, v63  }
0x52: {  	v0 =	vor.u32 v1, v0  }
0x53: {  	v0 =	vshrl.u32 v0, $0x3;
	_ =	sdelay $0x3  }
0x54: {  	s16 =	sadd.s32 $0x800, s17  }
0x55: {  	[tilespmem:s16], [sflag:$0x1] =	stream.indirect_vreg.gather [hbm:s4], $0x80, v0, vm0, $0x38;
	[tilespmem:$0x50A0] =	vst v63  }
0x56: {  	s16 =	sadd.s32 $0x400, s16  }
0x57: {  	[tilespmem:s16], [sflag:$0x1] =	stream.indirect_vreg.gather [hbm:s4], $0x80, v0, vm1, $0x38;
	[tilespmem:$0x50A0] =	vst v63  }
0x58: {  	s13 =	sshll.u32 s13, $0x4;
	_ =	swait.ge [sflag:s6], $0x2800  }
0x59: {  	s13 =	sadd.s32 s13, s9;
	[sflag:s6] =	ssyncset.done $0x0  }
0x5a: {  	s17 =	sadd.s32 $0x0, s13;
	s16 =	simm.s32 $0x80;
	[sflag:s6] =	ssyncadd.s32 $0xFFFFD800  }
.LBB2_5:
0x5b: {  	[hbm:s17] =	stream.linear.scatter [tilespmem:s14], [sflag:$0x3], $0x400, $0x38;
	[tilespmem:$0x50A0] =	vst v63  }
0x5c: {  	s17 =	smov.u32 s16;
	s14 =	smov.u32 s15;
	p1 =	sne.s32 s16, $0x480  }
.Ltmp4:
0x5d: {  	s16 =	sadd.s32 $0x80, s16;
	(pc) =	sbr.rel @p1 .LBB2_5-.Ltmp4, $2  }
0x5e: {  	_ =	sdelay $0x2  }
0x5f: {  	s15 =	sadd.s32 $0x400, s15;
	s17 =	sadd.s32 s17, s13  }
.Ltmp5:
0x60: {  	_ = 	snop;
	(pc) =	sbr.rel .LBB2_6-.Ltmp5, $1  }
0x61: {  	_ =	sdelay $0x3  }
.LBB2_8:
0x62: {  	_ =	sfence.sel $0x180000  }
0x63: {  	s2 =	simm.s32 $0x2;
	[bflag:$0x0] =	sbarrier.arrive $0xFFFF  }
0x64: {  	s30 =	simm.s32 $0x3;
	[sflag:s2] =	ssyncpa.u1 $0x1  }
0x65: {  	s31 =	simm.s32 $0x1;
	[sflag:s30] =	ssyncpa.u1 $0x1  }
0x66: {  	[sflag:s31] =	ssyncpa.u1 $0x1  }
0x67: {  	p0 =	sne.s32 s0, $0x0;
	_ =	strace $0x9000004A  }
0x68: {  	s0 =	sadd.s32 @!p0 $0x100000, s1;
	[bflag:$0x2] =	sbarrier.arrive $0xFFFF  }
0x69: {  	[sflag:s0] =	ssyncadd.tile.s32 @!p0 $0x1;
	_ =	shalt  }
.Lfunc_end2:
_tile_overlayer_lowered:
.L_overlay_start_2:
0x6a: {  	(tag) =	ssettag $0x2  }
0x6b: {  	s0 =	rddreg [dreg:$0x0];
	s2 =	stileid.u32  }
0x6c: {  	s1 =	rddreg [dreg:$0x1];
	p0 =	sne.s32 s2, $0x0  }
0x6d: {  	s3 =	rddreg [dreg:$0x2];
	[bflag:$0x3] =	sbarrier.arrive $0xFFFF;
	s2 =	simm.s32 @!p0 $0x1C01  }
0x6e: {  	[timem:s3], [sflag:s2] =	dma.local @!p0 [hbm:s0], s1  }
0x6f: {  	s0 =	simm.s32 @!p0 $0x1  }
0x70: {  	_ =	swait.ge @!p0 [sflag:s0], s1  }
0x71: {  	s1 =	ssub.s32 @!p0 $0x0, s1;
	[sflag:s0] =	ssyncset.done @!p0 $0x0  }
0x72: {  	[sflag:s0] =	ssyncadd.s32 @!p0 s1  }
0x73: {  	[bflag:$0x3] =	sbarrier.arrive $0xFFFF  }
0x74: {  	_ =	shalt  }

// kernel: gather_offload_async_start
scs
__scs_entry_jumppad:
0x0: {  	(pc) =	sbr.rel $0x88, $3  }
0x1: {  	(tag) =	ssettag $0x0;
	lr =	simm.s32 $0x1  }
0x2: {  	[smem:$0x3F91] =	sst lr;
	_ =	strace $0xD0000000  }
0x3: {  	_ = 	snop  }
0x4: {  	_ = 	snop  }
0x5: {  	_ = 	snop  }
0x6: {  	_ = 	snop  }
0x7: {  	_ = 	snop  }
__scs_overlays_trampoline_lowered:
0x8: {  	[smem:$0x3FA0] =	sst s0  }
0x9: {  	[smem:$0x3FA1] =	sst s1  }
0xa: {  	[smem:$0x3FA2] =	sst s2  }
0xb: {  	[smem:$0x3FA3] =	sst s3  }
0xc: {  	[smem:$0x3FA4] =	sst s4  }
0xd: {  	[smem:$0x3FA5] =	sst s5  }
0xe: {  	[smem:$0x3FA6] =	sst s6  }
0xf: {  	[smem:$0x3FA7] =	sst s7  }
0x10: {  	[smem:$0x3FA8] =	sst s8  }
0x11: {  	[smem:$0x3FA9] =	sst s9;
	s0 =	simm.s32 @!p0 $0x0  }
0x12: {  	s1 =	sld [smem:$0x3F8F];
	s0 =	simm.s32 @p0 $0x1  }
0x13: {  	[smem:$0x3FAA] =	sst s0;
	s0 =	simm.s32 @!p1 $0x0  }
0x14: {  	s2 =	sld [smem:$0x3F8E];
	s0 =	simm.s32 @p1 $0x1  }
0x15: {  	[smem:$0x3FAB] =	sst s0;
	s0 =	simm.s32 @!p2 $0x0  }
0x16: {  	s3 =	sld [smem:$0x3FDB];
	s0 =	simm.s32 @p2 $0x1  }
0x17: {  	s4 =	simm.s32 $0x1BF5;
	[smem:$0x3FAD] =	sst s0  }
0x18: {  	s0 =	sld [smem:$0x3F90];
	_ =	swait.ge [sflag:s4], $0x0  }
0x19: {  	s7 =	sld [smem:$0x3F91]  }
0x1a: {  	s8 =	sadd.s32 $0xFFFFE003, lr  }
0x1b: {  	s9 =	sadd.s32 $0xFFFFFEF7, lr;
	s5 =	simm.s32 $0xFFFFFFFF;
	p2 =	slt.u32 s8, $0xFFFFF086  }
0x1c: {  	p1 =	slt.u32 s9, $0xF7A;
	s5 =	simm.s32 @!p2 $0x0  }
0x1d: {  	s5 =	simm.s32 @p1 $0x1;
	p0 =	seq.s32 s7, s2  }
0x1e: {  	s7 =	smul.u32 @!p0 $0xF7A, s2;
	p2 =	seq.s32 @!p0 s5, $0x0  }
0x1f: {  	s9 =	smul.u32 $0xF7A, s1;
	s8 =	simm.s32 @!p0 $0x1BF5;
	p2 =	por !p2, p0  }
0x20: {  	[sflag:s8] =	ssyncset.s32 @!p0 $0xFFFFF086;
	s6 =	sadd.s32 @!p0 s3, s7;
	s7 =	simm.s32 @!p0 $0x108  }
0x21: {  	s3 =	sadd.s32 s3, s9;
	s6 =	sadd.s32 @!p0 $0x88, s6;
	s7 =	simm.s32 @p2 $0x1082  }
0x22: {  	[simem:s7], [sflag:s8] =	dma.local @!p0 [hbm:s6], $0xF7A  }
0x23: {  	s9 =	sor.u32 $0xD0000000, s2;
	s6 =	simm.s32 $0x108;
	_ =	swait.ge @!p0 [sflag:s8], $0x0  }
0x24: {  	s3 =	sadd.s32 $0x88, s3;
	s6 =	simm.s32 @!p1 $0x1082;
	[sflag:s4] =	ssyncset.s32 $0xFFFFF086  }
0x25: {  	[simem:s6], [sflag:s4] =	dma.local [hbm:s3], $0xF7A  }
0x26: {  	[smem:$0x3F91] =	sst s1;
	(tag) =	ssettag s2;
	_ =	strace s9  }
0x27: {  	s1 =	sld [smem:$0x3FA1]  }
0x28: {  	s2 =	sld [smem:$0x3FA2]  }
0x29: {  	s4 =	sld [smem:$0x3FA4]  }
0x2a: {  	p0 =	seq.s32 s5, $0x0;
	s5 =	sld [smem:$0x3FA5]  }
0x2b: {  	s6 =	sld [smem:$0x3FA6]  }
0x2c: {  	s7 =	sld [smem:$0x3FA7]  }
0x2d: {  	s3 =	simm.s32 $0x108;
	s8 =	sld [smem:$0x3FA8]  }
0x2e: {  	s3 =	simm.s32 @!p0 $0x1082;
	s9 =	sld [smem:$0x3FA9]  }
0x2f: {  	lr =	sadd.s32 s0, s3;
	s0 =	sld [smem:$0x3FA0]  }
0x30: {  	s3 =	sld [smem:$0x3FA3]  }
0x31: {  	[smem:$0x3FAC] =	sst s10  }
0x32: {  	s10 =	sld [smem:$0x3FAA];
	_ =	sdelay $0x3  }
0x33: {  	p0 =	seq.s32 s10, $0x1;
	s10 =	sld [smem:$0x3FAC];
	_ =	sdelay $0x3  }
0x34: {  	[smem:$0x3FAC] =	sst s10  }
0x35: {  	s10 =	sld [smem:$0x3FAB];
	_ =	sdelay $0x3  }
0x36: {  	p1 =	seq.s32 s10, $0x1;
	s10 =	sld [smem:$0x3FAC];
	_ =	sdelay $0x3  }
0x37: {  	[smem:$0x3FAC] =	sst s10  }
0x38: {  	s10 =	sld [smem:$0x3FAD]  }
0x39: {  	_ = 	snop;
	(pc) =	sbr.ind lr, $3  }
0x3a: {  	_ = 	snop  }
0x3b: {  	_ = 	snop  }
0x3c: {  	p2 =	seq.s32 s10, $0x1;
	s10 =	sld [smem:$0x3FAC]  }
0x3d: {  	_ =	shalt  }
0x3e: {  	_ =	shalt  }
0x3f: {  	_ =	shalt  }
0x40: {  	_ =	shalt  }
0x41: {  	_ =	shalt  }
0x42: {  	_ =	shalt  }
0x43: {  	_ =	shalt  }
0x44: {  	_ =	shalt  }
0x45: {  	_ =	shalt  }
0x46: {  	_ =	shalt  }
0x47: {  	_ =	shalt  }
0x48: {  	_ =	shalt  }
0x49: {  	_ =	shalt  }
0x4a: {  	_ =	shalt  }
0x4b: {  	_ =	shalt  }
0x4c: {  	_ =	shalt  }
0x4d: {  	_ =	shalt  }
0x4e: {  	_ =	shalt  }
0x4f: {  	_ =	shalt  }
0x50: {  	_ =	shalt  }
0x51: {  	_ =	shalt  }
0x52: {  	_ =	shalt  }
0x53: {  	_ =	shalt  }
0x54: {  	_ =	shalt  }
0x55: {  	_ =	shalt  }
0x56: {  	_ =	shalt  }
0x57: {  	_ =	shalt  }
0x58: {  	_ =	shalt  }
0x59: {  	_ =	shalt  }
0x5a: {  	_ =	shalt  }
0x5b: {  	_ =	shalt  }
0x5c: {  	_ =	shalt  }
0x5d: {  	_ =	shalt  }
0x5e: {  	_ =	shalt  }
0x5f: {  	_ =	shalt  }
0x60: {  	_ =	shalt  }
0x61: {  	_ =	shalt  }
0x62: {  	_ =	shalt  }
0x63: {  	_ =	shalt  }
0x64: {  	_ =	shalt  }
0x65: {  	_ =	shalt  }
0x66: {  	_ =	shalt  }
0x67: {  	_ =	shalt  }
0x68: {  	_ =	shalt  }
0x69: {  	_ =	shalt  }
0x6a: {  	_ =	shalt  }
0x6b: {  	_ =	shalt  }
0x6c: {  	_ =	shalt  }
0x6d: {  	_ =	shalt  }
0x6e: {  	_ =	shalt  }
0x6f: {  	_ =	shalt  }
0x70: {  	_ =	shalt  }
0x71: {  	_ =	shalt  }
0x72: {  	_ =	shalt  }
0x73: {  	_ =	shalt  }
0x74: {  	_ =	shalt  }
0x75: {  	_ =	shalt  }
0x76: {  	_ =	shalt  }
0x77: {  	_ =	shalt  }
0x78: {  	_ =	shalt  }
0x79: {  	_ =	shalt  }
0x7a: {  	_ =	shalt  }
0x7b: {  	_ =	shalt  }
0x7c: {  	_ =	shalt  }
0x7d: {  	_ =	shalt  }
0x7e: {  	_ =	shalt  }
0x7f: {  	_ =	shalt  }
0x80: {  	_ =	shalt  }
0x81: {  	_ =	shalt  }
0x82: {  	_ =	shalt  }
0x83: {  	_ =	shalt  }
0x84: {  	_ =	shalt  }
0x85: {  	_ =	shalt  }
0x86: {  	_ =	shalt  }
0x87: {  	_ =	shalt  }
.Lfunc_end0:
.L_simem_size_0:
called_computation_lowered:
.L_overlay_start_0:
0x88: {  	s2 =	sld [smem:$0x3FD9]  }
0x89: {  	s3 =	sld [smem:$0x3FFE];
	_ =	sdelay $0x1  }
0x8a: {  	s1 =	srdreg.scid  }
0x8b: {  	s0 =	sand.u32 $0x1, s1  }
0x8c: {  	s16 =	sshll.u32 s0, $0xA;
	s2 =	sadd.s32 s3, s2  }
0x8d: {  	s2 =	sadd.s32 s2, s16  }
0x8e: {  	[smem:$0x3FB8] =	sst s2  }
0x8f: {  	_ = 	snop  }
0x90: {  	(tm) =	ssettm $0x1  }
0x91: {  	s17 =	sld [smem:$0x3FFB];
	_ =	sdelay $0x3  }
0x92: {  	_ =	strace s17  }
0x93: {  	s2 =	sld [smem:$0x3FFC];
	_ =	sdelay $0x3  }
0x94: {  	_ =	strace s2  }
0x95: {  	s2 =	sld [smem:$0x3FFD];
	_ =	sdelay $0x3  }
0x96: {  	_ =	strace s2  }
0x97: {  	_ =	strace $0x8FFFFFFF  }
0x98: {  	s18 =	sld [smem:$0x3FDB];
	_ =	sdelay $0x1  }
0x99: {  	s19 =	simm.s32 $_scs_section_size  }
0x9a: {  	s4 =	simm.s32 $_size__tile_overlayer_lowered;
	s5 =	simm.s32 $_tile_overlayer_lowered  }
0x9b: {  	s22 =	simm.s32 $0x1BFF;
	s21 =	sshll.u32 s5, $0x1;
	s2 =	sadd.s32 s19, s18  }
0x9c: {  	s6 =	simm.s32 $0x0;
	s20 =	sshll.u32 s4, $0x1;
	s4 =	sadd.s32 s21, s2  }
0x9d: {  	[timem:s6], [sflag:s22] =	dma.local [hbm:s4], s20  }
0x9e: {  	_ =	swait.ge [sflag:s22], s20  }
0x9f: {  	s3 =	ssub.s32 $0x0, s20;
	[sflag:s22] =	ssyncset.done $0x0  }
0xa0: {  	[sflag:s22] =	ssyncadd.s32 s3;
	_ =	sdelay $0x1  }
0xa1: {  	s23 =	simm.s32 $0x1B8B  }
0xa2: {  	_ =	swait.ge [sflag:s23], $0x1  }
0xa3: {  	[sflag:s23] =	ssyncset.done $0x0  }
0xa4: {  	s25 =	simm.s32 $0x1B8E;
	s24 =	sld [smem:$0x3FFE];
	[sflag:s23] =	ssyncadd.s32 $0xFFFFFFFF  }
0xa5: {  	s26 =	simm.s32 $execute0_lowered;
	[smem:$0x3FD2] =	sst s25  }
0xa6: {  	s4 =	sshll.u32 s26, $0x1;
	_ =	strace $0x80000046;
	[dreg:$0x1] =	wrdreg $0xFFFFFFFF  }
0xa7: {  	s28 =	simm.s32 $_size_execute0_lowered;
	s2 =	sadd.s32 s2, s4;
	[dreg:$0x0] =	wrdreg $0x0  }
0xa8: {  	s4 =	sshll.u32 s28, $0x1;
	[dreg:$0x2] =	wrdreg s2  }
0xa9: {  	[dreg:$0x3] =	wrdreg s4  }
0xaa: {  	[dreg:$0x4] =	wrdreg $0xC0  }
0xab: {  	_ =	task [dreg:s6], $0x5FFFF  }
0xac: {  	[dreg:$0x1] =	wrdreg $0xFFFFFFFF  }
0xad: {  	[dreg:$0x0] =	wrdreg $0x60  }
0xae: {  	[dreg:$0x2] =	wrdreg s24  }
0xaf: {  	[dreg:$0x3] =	wrdreg $0x9  }
0xb0: {  	_ =	task.clear_ibuf [dreg:s6], $0x4FFFF;
	_ =	strace $0x90000046  }
0xb1: {  	s29 =	simm.s32 $0x9;
	_ =	strace $0x80000048  }
0xb2: {  	_ =	swait.ge [sflag:s29], $0x1  }
0xb3: {  	[sflag:s29] =	ssyncadd.s32 $0xFFFFFFFF  }
0xb4: {  	_ =	strace $0x90000048  }
0xb5: {  	_ =	sfence  }
0xb6: {  	s30 =	sld [smem:$0x0];
	_ =	sdelay $0x2  }
0xb7: {  	s31 =	sshll.u32 s1, $0xD;
	s1 =	sshrl.u32 s1, $0x2  }
0xb8: {  	s3 =	sand.u32 $0x4000, s31;
	s1 =	sadd.s32 s1, s30  }
0xb9: {  	s0 =	sor.u32 s3, s0;
	s1 =	sshll.u32 s1, $0x11  }
0xba: {  	s0 =	sor.u32 s1, s0  }
0xbb: {  	s0 =	sadd.s32 $0x8F2B, s0  }
0xbc: {  	[sflag:s0] =	ssyncadd.remote.s32 $0x1  }
0xbd: {  	_ =	sfence.sel $0xFFFF  }
0xbe: {  	[dreg:$0x0] =	wrdreg $0xFFFFFFFF;
	(pc) =	sbr.abs _section_cstart, $3  }
0xbf: {  	[dreg:$0x1] =	wrdreg $0xFFFFFFFF  }
0xc0: {  	_ =	task.clear_ibuf [dreg:s6], $0x2FFFF;
	_ =	strace $0x9FFFFFFF  }
0xc1: {  	(tm) =	ssettm $0x7FFFFFFF  }
tec
execute0_lowered:
.L_overlay_start_1:
0x0: {  	(tag) =	ssettag $0x1  }
0x1: {  	s0 =	srdreg.scid  }
0x2: {  	s1 =	sshll.u32 s0, $0x4  }
0x3: {  	s0 =	stileid.u32;
	s1 =	sand.u32 $0x10, s1  }
0x4: {  	s1 =	sor.u32 s0, s1  }
0x5: {  	s2 =	smin.u32 s1, $0x12  }
0x6: {  	s2 =	sadd.s32 s1, s2  }
0x7: {  	p0 =	slt.u32 s1, $0x12;
	s1 =	simm.s32 $0xA0;
	s2 =	smul.u32 $0x50, s2  }
0x8: {  	s1 =	simm.s32 @!p0 $0x50  }
0x9: {  	s1 =	sadd.s32 s1, s2  }
0xa: {  	s3 =	smin.u32 s1, $0xFA0  }
0xb: {  	s7 =	ssub.s32 s3, s2  }
0xc: {  	p0 =	sgt.s32 s7, $0x0  }
0xd: {  	s7 =	simm.s32 @!p0 $0x0  }
0xe: {  	s31 =	smul.u32 $0xCCCD, s7  }
0xf: {  	s9 =	rddreg [dreg:$0x0];
	s6 =	simm.s32 $0x1;
	s11 =	simm.s32 $0x3  }
0x10: {  	s13 =	simm.s32 $0x0;
	s12 =	simm.s32 $0x0;
	s8 =	sshrl.u32 s31, $0x16  }
0x11: {  	s4 =	sadd.s32 $0x17000, s9;
	s5 =	sadd.s32 $0x16E00, s9;
	s10 =	smul.u32 $0x50, s8  }
.Ltmp0:
0x12: {  	s9 =	sadd.s32 $0x11D800, s9;
	s1 =	rddreg [dreg:$0x1];
	(pc) =	sbr.rel .LBB2_1-.Ltmp0, $4  }
0x13: {  	_ =	strace $0x80000047;
	p0 =	sne.s32 s7, s10;
	s10 =	simm.s32 $0x1  }
0x14: {  	[sflag:s6] =	ssyncpa.u1 $0x0;
	s7 =	simm.s32 $0x2;
	s10 =	simm.s32 @!p0 $0x0  }
0x15: {  	[sflag:s7] =	ssyncpa.u1 $0x0;
	p0 =	por $0x0, $0x0;
	s8 =	sadd.s32 s8, s10  }
0x16: {  	vm0 =	vmmov $0xff;
	vm1 =	vcmask $0x3F20;
	[sflag:s11] =	ssyncpa.u1 $0x0;
	s11 =	smov.u32 s2;
	s10 =	sadd.s32 $0x1, s8  }
.LBB2_6:
0x17: {  	[hbm:s17] =	stream.linear.scatter [tilespmem:s14], [sflag:$0x3], $0x400, $0x38;
	[tilespmem:$0x50A0] =	vst v63  }
.LBB2_7:
0x18: {  	s13 =	sadd.s32 $0x50, s11  }
0x19: {  	s15 =	smov.u32 s2;
	p2 =	slt.s32 s13, s3  }
0x1a: {  	s15 =	smov.u32 @p2 s13;
	p2 =	sne.s32 s12, s10  }
.Ltmp1:
0x1b: {  	p1 =	slt.u32 s12, $0x2;
	(pc) =	sbr.rel @!p2 .LBB2_8-.Ltmp1, $4  }
0x1c: {  	s14 =	simm.s32 @!p1 $0x3  }
0x1d: {  	s16 =	sadd.s32 $0x1, s12;
	_ =	swait.ge @!p1 [sflag:s14], $0x2800  }
0x1e: {  	p0 =	por !p0, !p0;
	s13 =	smov.u32 s11;
	[sflag:s14] =	ssyncset.done @!p1 $0x0  }
0x1f: {  	s12 =	smov.u32 s16;
	s11 =	smov.u32 s15;
	[sflag:s14] =	ssyncadd.s32 @!p1 $0xFFFFD800  }
.LBB2_1:
0x20: {  	p1 =	sge.u32 s12, s8  }
0x21: {  	s14 =	sxor.u32 @!p1 $0xFFFFFFFF, s12  }
0x22: {  	s14 =	sand.u32 @!p1 $0x1, s14  }
0x23: {  	s14 =	smul.u32 @!p1 $0x140, s14  }
0x24: {  	s31 =	sadd.s32 $0xFFFFFFFF, s12;
	s15 =	sshrl.u32 @!p1 s11, $0x3  }
0x25: {  	s16 =	sand.u32 @!p1 $0x7, s11;
	s15 =	sadd.s32 @!p1 s5, s15;
	s14 =	sshrl.u32 @!p1 s14, $0x2  }
0x26: {  	[tilespmem:s14], [sflag:$0x2] =	stream.linear.gather @!p1 [hbm4b:s15+s16], $0x50, $0x38;
	[tilespmem:$0x50A0] =	vst v63  }
0x27: {  	p1 =	sge.u32 s31, s8  }
.Ltmp2:
0x28: {  	_ = 	snop;
	(pc) =	sbr.rel @p1 .LBB2_7-.Ltmp2, $1  }
0x29: {  	_ =	sdelay $0x3  }
0x2a: {  	s14 =	simm.s32 $0x1  }
0x2b: {  	s14 =	simm.s32 @!p0 $0x0  }
0x2c: {  	s15 =	smul.u32 $0x140, s14  }
0x2d: {  	_ =	swait.ge [sflag:s7], $0x50  }
0x2e: {  	[sflag:s7] =	ssyncset.done $0x0;
	s16 =	sshrl.u32 s15, $0x2  }
0x2f: {  	[sflag:s7] =	ssyncadd.s32 $0xFFFFFFB0;
	s15 =	sadd.s32 $0x0, s16  }
0x30: {  	v0 =	vld.msk [tilespmem:s15+$0x0 ss:$0x1], $0xffff;
	_ =	sdelay $0x4  }
0x31: {  	v1 =	vand.u32 $0x3, v0;
	v2 =	vshll.u32 v0, $0x5  }
0x32: {  	vm2 =	veq.s32 v0, $0x80000000;
	v0 =	vmul.u32 $0x20D000, v1;
	v1 =	vand.u32 $0x3FFF80, v2  }
0x33: {  	v1 =	vsel vm2, $0xFFFFFF80, v1  }
0x34: {  	v0 =	vsel vm2, $0xFFDF3000, v0;
	v2 =	vand.u32 $0xFFFFFC00, v1  }
0x35: {  	v1 =	vand.u32 $0x380, v1;
	v0 =	vadd.s32 v0, v2  }
0x36: {  	v0 =	vor.u32 v1, v0  }
0x37: {  	v0 =	vshrl.u32 v0, $0x3  }
0x38: {  	s14 =	smul.u32 $0xA000, s14;
	_ =	sdelay $0x1  }
0x39: {  	s14 =	sshrl.u32 s14, $0x2  }
0x3a: {  	s14 =	sor.u32 $0xA0, s14  }
0x3b: {  	[tilespmem:s14], [sflag:$0x1] =	stream.indirect_vreg.gather [hbm:s4], $0x80, v0, vm0, $0x38;
	[tilespmem:$0x50A0] =	vst v63  }
0x3c: {  	s17 =	sadd.s32 $0x10, s16;
	s15 =	sadd.s32 $0x400, s14  }
0x3d: {  	[tilespmem:s15], [sflag:$0x1] =	stream.indirect_vreg.gather [hbm:s4], $0x80, v0, vm1, $0x38;
	[tilespmem:$0x50A0] =	vst v63  }
0x3e: {  	s18 =	simm.s32 $0x80;
	v0 =	vld.msk [tilespmem:s17+$0x0 ss:$0x1], $0xffff;
	s17 =	smov.u32 s14  }
.LBB2_3:
0x3f: {  	p1 =	sne.s32 s18, $0x100;
	_ =	sdelay $0x4  }
0x40: {  	v1 =	vand.u32 $0x3, v0;
	v2 =	vshll.u32 v0, $0x5  }
0x41: {  	vm2 =	veq.s32 v0, $0x80000000;
	v0 =	vmul.u32 $0x20D000, v1;
	v1 =	vand.u32 $0x3FFF80, v2  }
0x42: {  	v1 =	vsel vm2, $0xFFFFFF80, v1  }
0x43: {  	v0 =	vsel vm2, $0xFFDF3000, v0;
	v2 =	vand.u32 $0xFFFFFC00, v1  }
0x44: {  	v1 =	vand.u32 $0x380, v1;
	v0 =	vadd.s32 v0, v2  }
0x45: {  	v0 =	vor.u32 v1, v0  }
0x46: {  	v0 =	vshrl.u32 v0, $0x3;
	_ =	sdelay $0x3  }
.Ltmp3:
0x47: {  	s19 =	sshra.s32 s18, $0x2;
	s17 =	sadd.s32 $0x800, s17;
	(pc) =	sbr.rel @p1 .LBB2_3-.Ltmp3, $4  }
0x48: {  	[tilespmem:s17], [sflag:$0x1] =	stream.indirect_vreg.gather [hbm:s4], $0x80, v0, vm0, $0x38;
	[tilespmem:$0x50A0] =	vst v63  }
0x49: {  	s19 =	sadd.s32 s19, s16;
	s20 =	sadd.s32 $0x400, s17  }
0x4a: {  	[tilespmem:s20], [sflag:$0x1] =	stream.indirect_vreg.gather [hbm:s4], $0x80, v0, vm1, $0x38;
	[tilespmem:$0x50A0] =	vst v63  }
0x4b: {  	s18 =	sadd.s32 $0x40, s18;
	v0 =	vld.msk [tilespmem:s19+$0x0 ss:$0x1], $0xffff  }
0x4c: {  	_ =	sdelay $0x3  }
0x4d: {  	v1 =	vand.u32 $0x3, v0;
	v2 =	vshll.u32 v0, $0x5  }
0x4e: {  	vm2 =	veq.s32 v0, $0x80000000;
	v61 =	vmul.u32 $0x20D000, v1;
	v62 =	vand.u32 $0x3FFF80, v2  }
0x4f: {  	v1 =	vsel vm2, $0xFFFFFF80, v62  }
0x50: {  	v0 =	vsel vm2, $0xFFDF3000, v61;
	v63 =	vand.u32 $0xFFFFFC00, v1  }
0x51: {  	v1 =	vand.u32 $0x380, v1;
	v0 =	vadd.s32 v0, v63  }
0x52: {  	v0 =	vor.u32 v1, v0  }
0x53: {  	v0 =	vshrl.u32 v0, $0x3;
	_ =	sdelay $0x3  }
0x54: {  	s16 =	sadd.s32 $0x800, s17  }
0x55: {  	[tilespmem:s16], [sflag:$0x1] =	stream.indirect_vreg.gather [hbm:s4], $0x80, v0, vm0, $0x38;
	[tilespmem:$0x50A0] =	vst v63  }
0x56: {  	s16 =	sadd.s32 $0x400, s16  }
0x57: {  	[tilespmem:s16], [sflag:$0x1] =	stream.indirect_vreg.gather [hbm:s4], $0x80, v0, vm1, $0x38;
	[tilespmem:$0x50A0] =	vst v63  }
0x58: {  	s13 =	sshll.u32 s13, $0x4;
	_ =	swait.ge [sflag:s6], $0x2800  }
0x59: {  	s13 =	sadd.s32 s13, s9;
	[sflag:s6] =	ssyncset.done $0x0  }
0x5a: {  	s17 =	sadd.s32 $0x0, s13;
	s16 =	simm.s32 $0x80;
	[sflag:s6] =	ssyncadd.s32 $0xFFFFD800  }
.LBB2_5:
0x5b: {  	[hbm:s17] =	stream.linear.scatter [tilespmem:s14], [sflag:$0x3], $0x400, $0x38;
	[tilespmem:$0x50A0] =	vst v63  }
0x5c: {  	s17 =	smov.u32 s16;
	s14 =	smov.u32 s15;
	p1 =	sne.s32 s16, $0x480  }
.Ltmp4:
0x5d: {  	s16 =	sadd.s32 $0x80, s16;
	(pc) =	sbr.rel @p1 .LBB2_5-.Ltmp4, $2  }
0x5e: {  	_ =	sdelay $0x2  }
0x5f: {  	s15 =	sadd.s32 $0x400, s15;
	s17 =	sadd.s32 s17, s13  }
.Ltmp5:
0x60: {  	_ = 	snop;
	(pc) =	sbr.rel .LBB2_6-.Ltmp5, $1  }
0x61: {  	_ =	sdelay $0x3  }
.LBB2_8:
0x62: {  	_ =	sfence.sel $0x180000  }
0x63: {  	s2 =	simm.s32 $0x2;
	[bflag:$0x0] =	sbarrier.arrive $0xFFFF  }
0x64: {  	s30 =	simm.s32 $0x3;
	[sflag:s2] =	ssyncpa.u1 $0x1  }
0x65: {  	s31 =	simm.s32 $0x1;
	[sflag:s30] =	ssyncpa.u1 $0x1  }
0x66: {  	[sflag:s31] =	ssyncpa.u1 $0x1  }
0x67: {  	p0 =	sne.s32 s0, $0x0;
	_ =	strace $0x90000047  }
0x68: {  	s0 =	sadd.s32 @!p0 $0x100000, s1;
	[bflag:$0x2] =	sbarrier.arrive $0xFFFF  }
0x69: {  	[sflag:s0] =	ssyncadd.tile.s32 @!p0 $0x1;
	_ =	shalt  }
.Lfunc_end2:
_tile_overlayer_lowered:
.L_overlay_start_2:
0x6a: {  	(tag) =	ssettag $0x2  }
0x6b: {  	s0 =	rddreg [dreg:$0x0];
	s2 =	stileid.u32  }
0x6c: {  	s1 =	rddreg [dreg:$0x1];
	p0 =	sne.s32 s2, $0x0  }
0x6d: {  	s3 =	rddreg [dreg:$0x2];
	[bflag:$0x3] =	sbarrier.arrive $0xFFFF;
	s2 =	simm.s32 @!p0 $0x1C01  }
0x6e: {  	[timem:s3], [sflag:s2] =	dma.local @!p0 [hbm:s0], s1  }
0x6f: {  	s0 =	simm.s32 @!p0 $0x1  }
0x70: {  	_ =	swait.ge @!p0 [sflag:s0], s1  }
0x71: {  	s1 =	ssub.s32 @!p0 $0x0, s1;
	[sflag:s0] =	ssyncset.done @!p0 $0x0  }
0x72: {  	[sflag:s0] =	ssyncadd.s32 @!p0 s1  }
0x73: {  	[bflag:$0x3] =	sbarrier.arrive $0xFFFF  }
0x74: {  	_ =	shalt  }

</sc_bundles>
